<compile_context>
chip_gen: v7x
topology: tpu7x:2x2x1
jax: 0.10.2.dev20260603
libtpu: 0.0.44.dev20260713+nightly
codegen_flags: <defaults>
</compile_context>

<pallas_src>
import functools

import numpy as np
import jax
import jax.numpy as jnp
from jax import lax
from jax.experimental import pallas as pl
from jax.experimental.pallas import tpu as pltpu
from jax.experimental.pallas import tpu_sc as plsc

_NUM_VIEW = 300
_L = 16


def _make_coef():
    n = _NUM_VIEW
    phi = (np.sqrt(5) - 1) / 2
    idxs = np.arange(n, dtype=np.float64)
    zi = (2 * idxs + 1) / n - 1
    xi = np.sqrt(1 - zi ** 2) * np.cos(2 * idxs * np.pi * phi)
    yi = np.sqrt(1 - zi ** 2) * np.sin(2 * idxs * np.pi * phi)
    views = np.stack([xi, yi, zi], axis=1).astype(np.float32)
    h = (-2.0 * views.astype(np.float64)).astype(np.float32)
    c = (views.astype(np.float64) ** 2).sum(1).astype(np.float32)
    return np.concatenate([h, c[:, None]], axis=1).reshape(-1)


_COEF = _make_coef()


def _sc_gather_body(tab_x, tab_y, tab_z, idx_hbm, o_xyz_hbm,
                    idx_v, x_v, y_v, z_v, sem,
                    *, per_tile, n_workers, seeds_per_batch, n_points):
    nc = 1
    wid = lax.axis_index("s") * nc + lax.axis_index("c")
    base = pl.multiple_of(wid * per_tile, per_tile)
    boff = (wid * per_tile // seeds_per_batch) * n_points

    pltpu.sync_copy(idx_hbm.at[pl.ds(base, per_tile)], idx_v)

    def _adjust(c, carry):
        v = idx_v[pl.ds(c * _L, _L)]
        idx_v[pl.ds(c * _L, _L)] = v + boff
        return carry

    lax.fori_loop(0, per_tile // _L, _adjust, 0)

    pltpu.async_copy(tab_x.at[idx_v], x_v, sem).wait()
    pltpu.async_copy(tab_y.at[idx_v], y_v, sem).wait()
    pltpu.async_copy(tab_z.at[idx_v], z_v, sem).wait()

    n_total = n_workers * per_tile
    pltpu.sync_copy(x_v, o_xyz_hbm.at[pl.ds(base, per_tile)])
    pltpu.sync_copy(y_v, o_xyz_hbm.at[pl.ds(n_total + base, per_tile)])
    pltpu.sync_copy(z_v, o_xyz_hbm.at[pl.ds(2 * n_total + base, per_tile)])


def _tc_body(views_ref, x_ref, y_ref, z_ref, inds_ref, rot_ref):
    x = x_ref[...]
    y = y_ref[...]
    z = z_ref[...]

    def _view(j, c):
        bd, bi = c
        h0 = views_ref[4 * j]
        h1 = views_ref[4 * j + 1]
        h2 = views_ref[4 * j + 2]
        gc = views_ref[4 * j + 3]
        d = gc + x * h0
        d = d + y * h1
        d = d + z * h2
        m = d < bd
        return jnp.where(m, d, bd), jnp.where(m, j, bi)

    init = (jnp.full(x.shape, jnp.inf, jnp.float32),
            jnp.zeros(x.shape, jnp.int32))
    _, bi = lax.fori_loop(0, _NUM_VIEW, _view, init, unroll=5)
    inds_ref[...] = bi

    tx, ty, tz = -x, -y, -z
    norm1 = jnp.sqrt(tx * tx + ty * ty + tz * tz)
    nx0, nx1, nx2 = tx / norm1, ty / norm1, tz / norm1
    y0, y1 = y, -x
    s2 = y0 * y0 + y1 * y1
    m0 = s2 == jnp.float32(0.0)
    norm2 = jnp.sqrt(s2)
    sel = jnp.where(m0, jnp.float32(1.0), norm2)
    ny0 = jnp.where(m0, jnp.float32(0.0), y0 / sel)
    ny1 = jnp.where(m0, jnp.float32(1.0), y1 / sel)
    ny2 = jnp.zeros_like(x)
    nz0 = nx1 * ny2 - nx2 * ny1
    nz1 = nx2 * ny0 - nx0 * ny2
    nz2 = nx0 * ny1 - nx1 * ny0
    for p_i, val in enumerate((nx0, ny0, nz0, nx1, ny1, nz1, nx2, ny2, nz2)):
        rot_ref[p_i] = val


def kernel(cloud_normals, xyz_graspable_idxs):
    b, n, _ = cloud_normals.shape
    bb, s = xyz_graspable_idxs.shape
    p = bb * s
    n_workers = 16
    per_tile = p // n_workers

    tabs = cloud_normals.reshape(b * n, 3).T
    tab_x = tabs[0]
    tab_y = tabs[1]
    tab_z = tabs[2]
    idx = xyz_graspable_idxs.reshape(-1)

    mesh = plsc.VectorSubcoreMesh(core_axis_name="c", subcore_axis_name="s",
                                  num_cores=1)
    gather = functools.partial(
        pl.kernel,
        mesh=mesh,
        out_type=[jax.ShapeDtypeStruct((p * 3,), jnp.float32)],
        scratch_types=[
            pltpu.VMEM((per_tile,), jnp.int32),
            pltpu.VMEM((per_tile,), jnp.float32),
            pltpu.VMEM((per_tile,), jnp.float32),
            pltpu.VMEM((per_tile,), jnp.float32),
            pltpu.SemaphoreType.DMA,
        ],
    )(functools.partial(_sc_gather_body, per_tile=per_tile,
                        n_workers=n_workers, seeds_per_batch=s, n_points=n))
    xyz_pl, = gather(tab_x, tab_y, tab_z, idx)

    r = 128
    c = p // r
    planes = xyz_pl.reshape(3, r, c)
    inds, rot_pl = pl.pallas_call(
        _tc_body,
        out_shape=[
            jax.ShapeDtypeStruct((r, c), jnp.int32),
            jax.ShapeDtypeStruct((9, r, c), jnp.float32),
        ],
        in_specs=[
            pl.BlockSpec(memory_space=pltpu.SMEM),
            pl.BlockSpec((r, c), lambda: (0, 0)),
            pl.BlockSpec((r, c), lambda: (0, 0)),
            pl.BlockSpec((r, c), lambda: (0, 0)),
        ],
        out_specs=[
            pl.BlockSpec((r, c), lambda: (0, 0)),
            pl.BlockSpec((9, r, c), lambda: (0, 0, 0)),
        ],
    )(jnp.asarray(_COEF), planes[0], planes[1], planes[2])

    xyz = xyz_pl.reshape(3, p).T.reshape(bb, s, 3)
    rot = rot_pl.reshape(3, 3, p).transpose(2, 0, 1).reshape(bb, s, 3, 3)
    return inds.reshape(bb, s, 1), xyz, rot

# --- scband reference (transcript-rebuilt; emitter-appended) ---
"""Pipeline reference for scband-normal-policy-60696477827605 (READ-ONLY COPY).

The authoritative reference and input builder live on the scoring server;
editing this copy changes nothing except your own understanding.
"""

import jax, jax.numpy as jnp
import numpy as np

NUM_VIEW = 300


def generate_grasp_views(N=300, phi=(np.sqrt(5) - 1) / 2, center=np.zeros(3), r=1.0):
    idxs = np.arange(N, dtype=np.float64)
    zi = (2 * idxs + 1) / N - 1
    xi = np.sqrt(1 - zi ** 2) * np.cos(2 * idxs * np.pi * phi)
    yi = np.sqrt(1 - zi ** 2) * np.sin(2 * idxs * np.pi * phi)
    views = r * np.stack([xi, yi, zi], axis=1) + center
    return jnp.asarray(views.astype(np.float32))


def batch_viewpoint_params_to_matrix(batch_towards, batch_angle):
    axis_x = batch_towards
    zeros = jnp.zeros(axis_x.shape[0], dtype=axis_x.dtype)
    ones = jnp.ones(axis_x.shape[0], dtype=axis_x.dtype)
    axis_y = jnp.stack([-axis_x[:, 1], axis_x[:, 0], zeros], axis=-1)
    mask_y = (jnp.linalg.norm(axis_y, axis=-1) == 0)
    axis_y = jnp.where(mask_y[:, None], jnp.stack([zeros, ones, zeros], axis=-1), axis_y)
    axis_x = axis_x / jnp.linalg.norm(axis_x, axis=-1, keepdims=True)
    axis_y = axis_y / jnp.linalg.norm(axis_y, axis=-1, keepdims=True)
    axis_z = jnp.cross(axis_x, axis_y)
    sin = jnp.sin(batch_angle)
    cos = jnp.cos(batch_angle)
    R1 = jnp.stack([ones, zeros, zeros, zeros, cos, -sin, zeros, sin, cos], axis=-1).reshape(-1, 3, 3)
    R2 = jnp.stack([axis_x, axis_y, axis_z], axis=-1)
    return jnp.matmul(R2, R1)


def setup_inputs(seed: int = 0):
    key = jax.random.key(seed)
    k1, k2 = jax.random.split(key)
    B, num_seed, N = 4, 4096, 50000
    cloud_normals = jax.random.normal(k1, (B, N, 3), dtype=jnp.float32)
    xyz_graspable_idxs = jax.random.randint(k2, (B, num_seed), 0, N, dtype=jnp.int32)
    return {"cloud_normals": cloud_normals, "xyz_graspable_idxs": xyz_graspable_idxs}


def reference(cloud_normals, xyz_graspable_idxs):
    B, num_seed = xyz_graspable_idxs.shape
    # gather_operation: gather seed normals at graspable indices -> [B, num_seed, 3]
    vp_xyz = jnp.take_along_axis(cloud_normals, xyz_graspable_idxs[:, :, None], axis=1)
    # generate grasp views and brute-force K=1 nearest neighbor (squared L2, as knn_points)
    grasp_views = generate_grasp_views(NUM_VIEW)  # [V, 3]
    diff = vp_xyz[:, :, None, :] - grasp_views[None, None, :, :]  # [B, num_seed, V, 3]
    dists = jnp.sum(diff * diff, axis=-1)  # [B, num_seed, V]
    top_view_inds = jnp.argmin(dists, axis=-1)[:, :, None].astype(jnp.int32)  # [B, num_seed, 1]
    # rotation matrices from viewpoints
    vp_xyz_ = vp_xyz.reshape(-1, 3)
    batch_angle = jnp.zeros(vp_xyz_.shape[0], dtype=vp_xyz_.dtype)
    vp_rot = batch_viewpoint_params_to_matrix(-vp_xyz_, batch_angle).reshape(B, num_seed, 3, 3)
    return top_view_inds, vp_xyz, vp_rot

if __name__ == "__main__":
    import jax
    _d = setup_inputs()
    print(jax.jit(kernel)(*tuple(_d.values())))

</pallas_src>

<mosaic_0001>
#map = affine_map<(d0, d1) -> (0)>
module attributes {stable_mosaic.version = 14 : i64} {
  func.func @_sc_gather_body(%arg0: i32, %arg1: i32, %arg2: memref<200000xf32, #tpu.memory_space<hbm>>, %arg3: memref<200000xf32, #tpu.memory_space<hbm>>, %arg4: memref<200000xf32, #tpu.memory_space<hbm>>, %arg5: memref<16384xi32, #tpu.memory_space<hbm>>, %arg6: memref<49152xf32, #tpu.memory_space<hbm>>, %arg7: memref<1024xi32, #tpu.memory_space<vmem>>, %arg8: memref<1024xf32, #tpu.memory_space<vmem>>, %arg9: memref<1024xf32, #tpu.memory_space<vmem>>, %arg10: memref<1024xf32, #tpu.memory_space<vmem>>, %arg11: memref<!tpu.dma_semaphore, #tpu.memory_space<semaphore_mem>>) attributes {dimension_semantics = [#tpu.dimension_semantics<core_parallel>, #tpu.dimension_semantics<subcore_parallel>], iteration_bounds = array<i64: 1, 16>, scalar_prefetch = 0 : i64, scratch_operands = 5 : i64, tpu.core_type = #tpu.core_type<sc_vector_subcore>, window_params = [{transform_indices = #map}, {transform_indices = #map}, {transform_indices = #map}, {transform_indices = #map}, {transform_indices = #map}]} {
    %mul3A = arith.constant 1 : i32
    %mul3A_0 = arith.muli %arg1, %mul3A : i32
    %add3A = arith.addi %mul3A_0, %arg0 : i32
    %mul3A_1 = arith.constant 1024 : i32
    %mul3A_2 = arith.muli %add3A, %mul3A_1 : i32
    %multiple_of3A = tpu.assume_multiple %mul3A_2, 1024 : i32
    %mul3A_3 = arith.constant 1024 : i32
    %mul3A_4 = arith.muli %add3A, %mul3A_3 : i32
    %jit3A = arith.constant 4096 : i32
    %div3A = arith.divsi %mul3A_4, %jit3A : i32
    %sign3A = arith.constant 0 : i32
    %sign3A_5 = arith.cmpi sgt, %mul3A_4, %sign3A : i32
    %sign3A_6 = arith.extui %sign3A_5 : i1 to i32
    %sign3A_7 = arith.constant 0 : i32
    %sign3A_8 = arith.cmpi slt, %mul3A_4, %sign3A_7 : i32
    %sign3A_9 = arith.extui %sign3A_8 : i1 to i32
    %sign3A_10 = arith.subi %sign3A_6, %sign3A_9 : i32
    %sign3A_11 = arith.constant 0 : i32
    %sign3A_12 = arith.cmpi sgt, %jit3A, %sign3A_11 : i32
    %sign3A_13 = arith.extui %sign3A_12 : i1 to i32
    %sign3A_14 = arith.constant 0 : i32
    %sign3A_15 = arith.cmpi slt, %jit3A, %sign3A_14 : i32
    %sign3A_16 = arith.extui %sign3A_15 : i1 to i32
    %sign3A_17 = arith.subi %sign3A_13, %sign3A_16 : i32
    %ne3A = arith.cmpi ne, %sign3A_10, %sign3A_17 : i32
    %rem3A = arith.remsi %mul3A_4, %jit3A : i32
    %ne3A_18 = arith.constant 0 : i32
    %ne3A_19 = arith.cmpi ne, %rem3A, %ne3A_18 : i32
    %and3A = arith.andi %ne3A, %ne3A_19 : i1
    %sub3A = arith.constant 1 : i32
    %sub3A_20 = arith.subi %div3A, %sub3A : i32
    %select_n3A = arith.select %and3A, %sub3A_20, %div3A : i32
    %mul3A_21 = arith.constant 50000 : i32
    %mul3A_22 = arith.muli %select_n3A, %mul3A_21 : i32
    "tpu.region"() ({
      %run_scoped3A = tpu.sem_alloc : memref<!tpu.dma_semaphore, #tpu.memory_space<semaphore_mem>>
      %dma_start3A_42 = tpu.memref_slice %arg5[%multiple_of3A] : memref<16384xi32, #tpu.memory_space<hbm>> -> memref<1024xi32, #tpu.memory_space<hbm>>
      %dma_start3A_43 = tpu.memref_slice %arg5[%multiple_of3A] : memref<16384xi32, #tpu.memory_space<hbm>> -> memref<1024xi32, #tpu.memory_space<hbm>>
      tpu.enqueue_dma source(%dma_start3A_43 : memref<1024xi32, #tpu.memory_space<hbm>>) target(%arg7 : memref<1024xi32, #tpu.memory_space<vmem>>) target_semaphore(%run_scoped3A : memref<!tpu.dma_semaphore, #tpu.memory_space<semaphore_mem>>)
      %dma_wait3A_44 = tpu.memref_slice %arg5[%multiple_of3A] : memref<16384xi32, #tpu.memory_space<hbm>> -> memref<1024xi32, #tpu.memory_space<hbm>>
      %dma_wait3A_45 = tpu.memref_slice %arg5[%multiple_of3A] : memref<16384xi32, #tpu.memory_space<hbm>> -> memref<1024xi32, #tpu.memory_space<hbm>>
      tpu.wait_dma2 semaphore(%run_scoped3A : memref<!tpu.dma_semaphore, #tpu.memory_space<semaphore_mem>>) src(%dma_wait3A_45 : memref<1024xi32, #tpu.memory_space<hbm>>) dst(%arg7 : memref<1024xi32, #tpu.memory_space<vmem>>)
      tpu.yield
    }) : () -> ()
    %scan3A = arith.constant 0 : i32
    %scan3A_23 = arith.constant 0 : i32
    %scan3A_24 = arith.constant 64 : i32
    %scan3A_25 = arith.addi %scan3A_23, %scan3A_24 : i32
    %scan3A_26 = arith.constant 1 : i32
    scf.for %scan3A_42 = %scan3A_23 to %scan3A_25 step %scan3A_26  : i32 {
      %mul3A_43 = arith.constant 16 : i32
      %mul3A_44 = arith.muli %scan3A_42, %mul3A_43 : i32
      %get3A = arith.index_cast %mul3A_44 : i32 to index
      %get3A_45 = tpu.vector_load %arg7[%get3A] {strides = array<i32>} : memref<1024xi32, #tpu.memory_space<vmem>>, vector<16xi32>,
      %get3A_46 = vector.shape_cast %get3A_45 : vector<16xi32> to vector<16xi32>
      %add3A_47 = vector.broadcast %mul3A_22 : i32 to vector<16xi32>
      %add3A_48 = arith.addi %get3A_46, %add3A_47 : vector<16xi32>
      %mul3A_49 = arith.constant 16 : i32
      %mul3A_50 = arith.muli %scan3A_42, %mul3A_49 : i32
      %swap3A = arith.index_cast %mul3A_50 : i32 to index
      %swap3A_51 = tpu.vector_load %arg7[%swap3A] {strides = array<i32>} : memref<1024xi32, #tpu.memory_space<vmem>>, vector<16xi32>,
      %swap3A_52 = vector.shape_cast %swap3A_51 : vector<16xi32> to vector<16xi32>
      %swap3A_53 = vector.shape_cast %add3A_48 : vector<16xi32> to vector<16xi32>
      tpu.vector_store %arg7[%swap3A], %swap3A_53 {strides = array<i32>} : memref<1024xi32, #tpu.memory_space<vmem>>, vector<16xi32>,
    }
    %scan3A_27 = arith.constant 64 : i32
    %dma_start3A = arith.constant 0 : i32
    %dma_start3A_28 = tpu.memref_slice %arg2[%dma_start3A] : memref<200000xf32, #tpu.memory_space<hbm>> -> memref<200000xf32, #tpu.memory_space<hbm>>
    tpu.enqueue_indirect_dma source(%dma_start3A_28 : memref<200000xf32, #tpu.memory_space<hbm>>) target(%arg8 : memref<1024xf32, #tpu.memory_space<vmem>>) offsets(%arg7 : memref<1024xi32, #tpu.memory_space<vmem>>) semaphore(%arg11 : memref<!tpu.dma_semaphore, #tpu.memory_space<semaphore_mem>>)
    %dma_wait3A = arith.constant 0 : i32
    %dma_wait3A_29 = tpu.memref_slice %arg2[%dma_wait3A] : memref<200000xf32, #tpu.memory_space<hbm>> -> memref<200000xf32, #tpu.memory_space<hbm>>
    tpu.wait_indirect_dma semaphore(%arg11 : memref<!tpu.dma_semaphore, #tpu.memory_space<semaphore_mem>>) src(%dma_wait3A_29 : memref<200000xf32, #tpu.memory_space<hbm>>) dst(%arg8 : memref<1024xf32, #tpu.memory_space<vmem>>)
    %dma_start3A_30 = arith.constant 0 : i32
    %dma_start3A_31 = tpu.memref_slice %arg3[%dma_start3A_30] : memref<200000xf32, #tpu.memory_space<hbm>> -> memref<200000xf32, #tpu.memory_space<hbm>>
    tpu.enqueue_indirect_dma source(%dma_start3A_31 : memref<200000xf32, #tpu.memory_space<hbm>>) target(%arg9 : memref<1024xf32, #tpu.memory_space<vmem>>) offsets(%arg7 : memref<1024xi32, #tpu.memory_space<vmem>>) semaphore(%arg11 : memref<!tpu.dma_semaphore, #tpu.memory_space<semaphore_mem>>)
    %dma_wait3A_32 = arith.constant 0 : i32
    %dma_wait3A_33 = tpu.memref_slice %arg3[%dma_wait3A_32] : memref<200000xf32, #tpu.memory_space<hbm>> -> memref<200000xf32, #tpu.memory_space<hbm>>
    tpu.wait_indirect_dma semaphore(%arg11 : memref<!tpu.dma_semaphore, #tpu.memory_space<semaphore_mem>>) src(%dma_wait3A_33 : memref<200000xf32, #tpu.memory_space<hbm>>) dst(%arg9 : memref<1024xf32, #tpu.memory_space<vmem>>)
    %dma_start3A_34 = arith.constant 0 : i32
    %dma_start3A_35 = tpu.memref_slice %arg4[%dma_start3A_34] : memref<200000xf32, #tpu.memory_space<hbm>> -> memref<200000xf32, #tpu.memory_space<hbm>>
    tpu.enqueue_indirect_dma source(%dma_start3A_35 : memref<200000xf32, #tpu.memory_space<hbm>>) target(%arg10 : memref<1024xf32, #tpu.memory_space<vmem>>) offsets(%arg7 : memref<1024xi32, #tpu.memory_space<vmem>>) semaphore(%arg11 : memref<!tpu.dma_semaphore, #tpu.memory_space<semaphore_mem>>)
    %dma_wait3A_36 = arith.constant 0 : i32
    %dma_wait3A_37 = tpu.memref_slice %arg4[%dma_wait3A_36] : memref<200000xf32, #tpu.memory_space<hbm>> -> memref<200000xf32, #tpu.memory_space<hbm>>
    tpu.wait_indirect_dma semaphore(%arg11 : memref<!tpu.dma_semaphore, #tpu.memory_space<semaphore_mem>>) src(%dma_wait3A_37 : memref<200000xf32, #tpu.memory_space<hbm>>) dst(%arg10 : memref<1024xf32, #tpu.memory_space<vmem>>)
    "tpu.region"() ({
      %run_scoped3A = tpu.sem_alloc : memref<!tpu.dma_semaphore, #tpu.memory_space<semaphore_mem>>
      %dma_start3A_42 = tpu.memref_slice %arg6[%multiple_of3A] : memref<49152xf32, #tpu.memory_space<hbm>> -> memref<1024xf32, #tpu.memory_space<hbm>>
      %dma_start3A_43 = tpu.memref_slice %arg6[%multiple_of3A] : memref<49152xf32, #tpu.memory_space<hbm>> -> memref<1024xf32, #tpu.memory_space<hbm>>
      tpu.enqueue_dma source(%arg8 : memref<1024xf32, #tpu.memory_space<vmem>>) target(%dma_start3A_43 : memref<1024xf32, #tpu.memory_space<hbm>>) target_semaphore(%run_scoped3A : memref<!tpu.dma_semaphore, #tpu.memory_space<semaphore_mem>>)
      %dma_wait3A_44 = tpu.memref_slice %arg6[%multiple_of3A] : memref<49152xf32, #tpu.memory_space<hbm>> -> memref<1024xf32, #tpu.memory_space<hbm>>
      %dma_wait3A_45 = tpu.memref_slice %arg6[%multiple_of3A] : memref<49152xf32, #tpu.memory_space<hbm>> -> memref<1024xf32, #tpu.memory_space<hbm>>
      tpu.wait_dma2 semaphore(%run_scoped3A : memref<!tpu.dma_semaphore, #tpu.memory_space<semaphore_mem>>) src(%arg8 : memref<1024xf32, #tpu.memory_space<vmem>>) dst(%dma_wait3A_45 : memref<1024xf32, #tpu.memory_space<hbm>>)
      tpu.yield
    }) : () -> ()
    %add3A_38 = arith.constant 16384 : i32
    %add3A_39 = arith.addi %add3A_38, %multiple_of3A : i32
    "tpu.region"() ({
      %run_scoped3A = tpu.sem_alloc : memref<!tpu.dma_semaphore, #tpu.memory_space<semaphore_mem>>
      %dma_start3A_42 = tpu.memref_slice %arg6[%add3A_39] : memref<49152xf32, #tpu.memory_space<hbm>> -> memref<1024xf32, #tpu.memory_space<hbm>>
      %dma_start3A_43 = tpu.memref_slice %arg6[%add3A_39] : memref<49152xf32, #tpu.memory_space<hbm>> -> memref<1024xf32, #tpu.memory_space<hbm>>
      tpu.enqueue_dma source(%arg9 : memref<1024xf32, #tpu.memory_space<vmem>>) target(%dma_start3A_43 : memref<1024xf32, #tpu.memory_space<hbm>>) target_semaphore(%run_scoped3A : memref<!tpu.dma_semaphore, #tpu.memory_space<semaphore_mem>>)
      %dma_wait3A_44 = tpu.memref_slice %arg6[%add3A_39] : memref<49152xf32, #tpu.memory_space<hbm>> -> memref<1024xf32, #tpu.memory_space<hbm>>
      %dma_wait3A_45 = tpu.memref_slice %arg6[%add3A_39] : memref<49152xf32, #tpu.memory_space<hbm>> -> memref<1024xf32, #tpu.memory_space<hbm>>
      tpu.wait_dma2 semaphore(%run_scoped3A : memref<!tpu.dma_semaphore, #tpu.memory_space<semaphore_mem>>) src(%arg9 : memref<1024xf32, #tpu.memory_space<vmem>>) dst(%dma_wait3A_45 : memref<1024xf32, #tpu.memory_space<hbm>>)
      tpu.yield
    }) : () -> ()
    %add3A_40 = arith.constant 32768 : i32
    %add3A_41 = arith.addi %add3A_40, %multiple_of3A : i32
    "tpu.region"() ({
      %run_scoped3A = tpu.sem_alloc : memref<!tpu.dma_semaphore, #tpu.memory_space<semaphore_mem>>
      %dma_start3A_42 = tpu.memref_slice %arg6[%add3A_41] : memref<49152xf32, #tpu.memory_space<hbm>> -> memref<1024xf32, #tpu.memory_space<hbm>>
      %dma_start3A_43 = tpu.memref_slice %arg6[%add3A_41] : memref<49152xf32, #tpu.memory_space<hbm>> -> memref<1024xf32, #tpu.memory_space<hbm>>
      tpu.enqueue_dma source(%arg10 : memref<1024xf32, #tpu.memory_space<vmem>>) target(%dma_start3A_43 : memref<1024xf32, #tpu.memory_space<hbm>>) target_semaphore(%run_scoped3A : memref<!tpu.dma_semaphore, #tpu.memory_space<semaphore_mem>>)
      %dma_wait3A_44 = tpu.memref_slice %arg6[%add3A_41] : memref<49152xf32, #tpu.memory_space<hbm>> -> memref<1024xf32, #tpu.memory_space<hbm>>
      %dma_wait3A_45 = tpu.memref_slice %arg6[%add3A_41] : memref<49152xf32, #tpu.memory_space<hbm>> -> memref<1024xf32, #tpu.memory_space<hbm>>
      tpu.wait_dma2 semaphore(%run_scoped3A : memref<!tpu.dma_semaphore, #tpu.memory_space<semaphore_mem>>) src(%arg10 : memref<1024xf32, #tpu.memory_space<vmem>>) dst(%dma_wait3A_45 : memref<1024xf32, #tpu.memory_space<hbm>>)
      tpu.yield
    }) : () -> ()
    return
  }
}

module attributes {stable_mosaic.version = 14 : i64} {
  func.func @_tc_body(%arg0: memref<1200xf32, #tpu.memory_space<smem>>, %arg1: memref<128x128xf32, #tpu.memory_space<vmem>>, %arg2: memref<128x128xf32, #tpu.memory_space<vmem>>, %arg3: memref<128x128xf32, #tpu.memory_space<vmem>>, %arg4: memref<128x128xi32, #tpu.memory_space<vmem>>, %arg5: memref<9x128x128xf32, #tpu.memory_space<vmem>>) attributes {dimension_semantics = [], scalar_prefetch = 0 : i64, scratch_operands = 0 : i64, tpu.core_type = #tpu.core_type<tc>} {
    %get3A = arith.constant 0 : index
    %get3A_0 = arith.constant 0 : index
    %get3A_1 = vector.load %arg1[%get3A, %get3A_0] : memref<128x128xf32, #tpu.memory_space<vmem>>, vector<128x128xf32>
    %get3A_2 = arith.constant 0 : index
    %get3A_3 = arith.constant 0 : index
    %get3A_4 = vector.load %arg2[%get3A_2, %get3A_3] : memref<128x128xf32, #tpu.memory_space<vmem>>, vector<128x128xf32>
    %get3A_5 = arith.constant 0 : index
    %get3A_6 = arith.constant 0 : index
    %get3A_7 = vector.load %arg3[%get3A_5, %get3A_6] : memref<128x128xf32, #tpu.memory_space<vmem>>, vector<128x128xf32>
    %broadcast_in_dim3A = arith.constant 0x7F800000 : f32
    %broadcast_in_dim3A_8 = vector.broadcast %broadcast_in_dim3A : f32 to vector<128x128xf32>
    %broadcast_in_dim3A_9 = arith.constant 0 : i32
    %broadcast_in_dim3A_10 = vector.broadcast %broadcast_in_dim3A_9 : i32 to vector<128x128xi32>
    %scan3A = arith.constant 0 : i32
    %scan3A_11 = arith.constant 300 : i32
    %scan3A_12 = arith.addi %scan3A, %scan3A_11 : i32
    %scan3A_13 = arith.constant 5 : i32
    %scan3A_14:2 = scf.for %scan3A_113 = %scan3A to %scan3A_12 step %scan3A_13 iter_args(%scan3A_114 = %broadcast_in_dim3A_8, %scan3A_115 = %broadcast_in_dim3A_10) -> (vector<128x128xf32>, vector<128x128xi32>)  : i32 {
      %mul3A_116 = arith.constant 4 : i32
      %mul3A_117 = arith.muli %mul3A_116, %scan3A_113 : i32
      %get3A_118 = arith.index_cast %mul3A_117 : i32 to index
      %get3A_119 = memref.load %arg0[%get3A_118] : memref<1200xf32, #tpu.memory_space<smem>>
      %mul3A_120 = arith.constant 4 : i32
      %mul3A_121 = arith.muli %mul3A_120, %scan3A_113 : i32
      %add3A_122 = arith.constant 1 : i32
      %add3A_123 = arith.addi %mul3A_121, %add3A_122 : i32
      %get3A_124 = arith.index_cast %add3A_123 : i32 to index
      %get3A_125 = memref.load %arg0[%get3A_124] : memref<1200xf32, #tpu.memory_space<smem>>
      %mul3A_126 = arith.constant 4 : i32
      %mul3A_127 = arith.muli %mul3A_126, %scan3A_113 : i32
      %add3A_128 = arith.constant 2 : i32
      %add3A_129 = arith.addi %mul3A_127, %add3A_128 : i32
      %get3A_130 = arith.index_cast %add3A_129 : i32 to index
      %get3A_131 = memref.load %arg0[%get3A_130] : memref<1200xf32, #tpu.memory_space<smem>>
      %mul3A_132 = arith.constant 4 : i32
      %mul3A_133 = arith.muli %mul3A_132, %scan3A_113 : i32
      %add3A_134 = arith.constant 3 : i32
      %add3A_135 = arith.addi %mul3A_133, %add3A_134 : i32
      %get3A_136 = arith.index_cast %add3A_135 : i32 to index
      %get3A_137 = memref.load %arg0[%get3A_136] : memref<1200xf32, #tpu.memory_space<smem>>
      %mul3A_138 = vector.broadcast %get3A_119 : f32 to vector<128x128xf32>
      %mul3A_139 = arith.mulf %get3A_1, %mul3A_138 : vector<128x128xf32>
      %add3A_140 = vector.broadcast %get3A_137 : f32 to vector<128x128xf32>
      %add3A_141 = arith.addf %add3A_140, %mul3A_139 : vector<128x128xf32>
      %mul3A_142 = vector.broadcast %get3A_125 : f32 to vector<128x128xf32>
      %mul3A_143 = arith.mulf %get3A_4, %mul3A_142 : vector<128x128xf32>
      %add3A_144 = arith.addf %add3A_141, %mul3A_143 : vector<128x128xf32>
      %mul3A_145 = vector.broadcast %get3A_131 : f32 to vector<128x128xf32>
      %mul3A_146 = arith.mulf %get3A_7, %mul3A_145 : vector<128x128xf32>
      %add3A_147 = arith.addf %add3A_144, %mul3A_146 : vector<128x128xf32>
      %lt3A = arith.cmpf olt, %add3A_147, %scan3A_114 : vector<128x128xf32>
      %select_n3A_148 = arith.select %lt3A, %add3A_147, %scan3A_114 : vector<128x128xi1>, vector<128x128xf32>
      %broadcast_in_dim3A_149 = vector.broadcast %scan3A_113 : i32 to vector<128x128xi32>
      %select_n3A_150 = arith.select %lt3A, %broadcast_in_dim3A_149, %scan3A_115 : vector<128x128xi1>, vector<128x128xi32>
      %scan3A_151 = arith.constant 1 : i32
      %scan3A_152 = arith.addi %scan3A_113, %scan3A_151 : i32
      %mul3A_153 = arith.constant 4 : i32
      %mul3A_154 = arith.muli %mul3A_153, %scan3A_152 : i32
      %get3A_155 = arith.index_cast %mul3A_154 : i32 to index
      %get3A_156 = memref.load %arg0[%get3A_155] : memref<1200xf32, #tpu.memory_space<smem>>
      %mul3A_157 = arith.constant 4 : i32
      %mul3A_158 = arith.muli %mul3A_157, %scan3A_152 : i32
      %add3A_159 = arith.constant 1 : i32
      %add3A_160 = arith.addi %mul3A_158, %add3A_159 : i32
      %get3A_161 = arith.index_cast %add3A_160 : i32 to index
      %get3A_162 = memref.load %arg0[%get3A_161] : memref<1200xf32, #tpu.memory_space<smem>>
      %mul3A_163 = arith.constant 4 : i32
      %mul3A_164 = arith.muli %mul3A_163, %scan3A_152 : i32
      %add3A_165 = arith.constant 2 : i32
      %add3A_166 = arith.addi %mul3A_164, %add3A_165 : i32
      %get3A_167 = arith.index_cast %add3A_166 : i32 to index
      %get3A_168 = memref.load %arg0[%get3A_167] : memref<1200xf32, #tpu.memory_space<smem>>
      %mul3A_169 = arith.constant 4 : i32
      %mul3A_170 = arith.muli %mul3A_169, %scan3A_152 : i32
      %add3A_171 = arith.constant 3 : i32
      %add3A_172 = arith.addi %mul3A_170, %add3A_171 : i32
      %get3A_173 = arith.index_cast %add3A_172 : i32 to index
      %get3A_174 = memref.load %arg0[%get3A_173] : memref<1200xf32, #tpu.memory_space<smem>>
      %mul3A_175 = vector.broadcast %get3A_156 : f32 to vector<128x128xf32>
      %mul3A_176 = arith.mulf %get3A_1, %mul3A_175 : vector<128x128xf32>
      %add3A_177 = vector.broadcast %get3A_174 : f32 to vector<128x128xf32>
      %add3A_178 = arith.addf %add3A_177, %mul3A_176 : vector<128x128xf32>
      %mul3A_179 = vector.broadcast %get3A_162 : f32 to vector<128x128xf32>
      %mul3A_180 = arith.mulf %get3A_4, %mul3A_179 : vector<128x128xf32>
      %add3A_181 = arith.addf %add3A_178, %mul3A_180 : vector<128x128xf32>
      %mul3A_182 = vector.broadcast %get3A_168 : f32 to vector<128x128xf32>
      %mul3A_183 = arith.mulf %get3A_7, %mul3A_182 : vector<128x128xf32>
      %add3A_184 = arith.addf %add3A_181, %mul3A_183 : vector<128x128xf32>
      %lt3A_185 = arith.cmpf olt, %add3A_184, %select_n3A_148 : vector<128x128xf32>
      %select_n3A_186 = arith.select %lt3A_185, %add3A_184, %select_n3A_148 : vector<128x128xi1>, vector<128x128xf32>
      %broadcast_in_dim3A_187 = vector.broadcast %scan3A_152 : i32 to vector<128x128xi32>
      %select_n3A_188 = arith.select %lt3A_185, %broadcast_in_dim3A_187, %select_n3A_150 : vector<128x128xi1>, vector<128x128xi32>
      %scan3A_189 = arith.constant 2 : i32
      %scan3A_190 = arith.addi %scan3A_113, %scan3A_189 : i32
      %mul3A_191 = arith.constant 4 : i32
      %mul3A_192 = arith.muli %mul3A_191, %scan3A_190 : i32
      %get3A_193 = arith.index_cast %mul3A_192 : i32 to index
      %get3A_194 = memref.load %arg0[%get3A_193] : memref<1200xf32, #tpu.memory_space<smem>>
      %mul3A_195 = arith.constant 4 : i32
      %mul3A_196 = arith.muli %mul3A_195, %scan3A_190 : i32
      %add3A_197 = arith.constant 1 : i32
      %add3A_198 = arith.addi %mul3A_196, %add3A_197 : i32
      %get3A_199 = arith.index_cast %add3A_198 : i32 to index
      %get3A_200 = memref.load %arg0[%get3A_199] : memref<1200xf32, #tpu.memory_space<smem>>
      %mul3A_201 = arith.constant 4 : i32
      %mul3A_202 = arith.muli %mul3A_201, %scan3A_190 : i32
      %add3A_203 = arith.constant 2 : i32
      %add3A_204 = arith.addi %mul3A_202, %add3A_203 : i32
      %get3A_205 = arith.index_cast %add3A_204 : i32 to index
      %get3A_206 = memref.load %arg0[%get3A_205] : memref<1200xf32, #tpu.memory_space<smem>>
      %mul3A_207 = arith.constant 4 : i32
      %mul3A_208 = arith.muli %mul3A_207, %scan3A_190 : i32
      %add3A_209 = arith.constant 3 : i32
      %add3A_210 = arith.addi %mul3A_208, %add3A_209 : i32
      %get3A_211 = arith.index_cast %add3A_210 : i32 to index
      %get3A_212 = memref.load %arg0[%get3A_211] : memref<1200xf32, #tpu.memory_space<smem>>
      %mul3A_213 = vector.broadcast %get3A_194 : f32 to vector<128x128xf32>
      %mul3A_214 = arith.mulf %get3A_1, %mul3A_213 : vector<128x128xf32>
      %add3A_215 = vector.broadcast %get3A_212 : f32 to vector<128x128xf32>
      %add3A_216 = arith.addf %add3A_215, %mul3A_214 : vector<128x128xf32>
      %mul3A_217 = vector.broadcast %get3A_200 : f32 to vector<128x128xf32>
      %mul3A_218 = arith.mulf %get3A_4, %mul3A_217 : vector<128x128xf32>
      %add3A_219 = arith.addf %add3A_216, %mul3A_218 : vector<128x128xf32>
      %mul3A_220 = vector.broadcast %get3A_206 : f32 to vector<128x128xf32>
      %mul3A_221 = arith.mulf %get3A_7, %mul3A_220 : vector<128x128xf32>
      %add3A_222 = arith.addf %add3A_219, %mul3A_221 : vector<128x128xf32>
      %lt3A_223 = arith.cmpf olt, %add3A_222, %select_n3A_186 : vector<128x128xf32>
      %select_n3A_224 = arith.select %lt3A_223, %add3A_222, %select_n3A_186 : vector<128x128xi1>, vector<128x128xf32>
      %broadcast_in_dim3A_225 = vector.broadcast %scan3A_190 : i32 to vector<128x128xi32>
      %select_n3A_226 = arith.select %lt3A_223, %broadcast_in_dim3A_225, %select_n3A_188 : vector<128x128xi1>, vector<128x128xi32>
      %scan3A_227 = arith.constant 3 : i32
      %scan3A_228 = arith.addi %scan3A_113, %scan3A_227 : i32
      %mul3A_229 = arith.constant 4 : i32
      %mul3A_230 = arith.muli %mul3A_229, %scan3A_228 : i32
      %get3A_231 = arith.index_cast %mul3A_230 : i32 to index
      %get3A_232 = memref.load %arg0[%get3A_231] : memref<1200xf32, #tpu.memory_space<smem>>
      %mul3A_233 = arith.constant 4 : i32
      %mul3A_234 = arith.muli %mul3A_233, %scan3A_228 : i32
      %add3A_235 = arith.constant 1 : i32
      %add3A_236 = arith.addi %mul3A_234, %add3A_235 : i32
      %get3A_237 = arith.index_cast %add3A_236 : i32 to index
      %get3A_238 = memref.load %arg0[%get3A_237] : memref<1200xf32, #tpu.memory_space<smem>>
      %mul3A_239 = arith.constant 4 : i32
      %mul3A_240 = arith.muli %mul3A_239, %scan3A_228 : i32
      %add3A_241 = arith.constant 2 : i32
      %add3A_242 = arith.addi %mul3A_240, %add3A_241 : i32
      %get3A_243 = arith.index_cast %add3A_242 : i32 to index
      %get3A_244 = memref.load %arg0[%get3A_243] : memref<1200xf32, #tpu.memory_space<smem>>
      %mul3A_245 = arith.constant 4 : i32
      %mul3A_246 = arith.muli %mul3A_245, %scan3A_228 : i32
      %add3A_247 = arith.constant 3 : i32
      %add3A_248 = arith.addi %mul3A_246, %add3A_247 : i32
      %get3A_249 = arith.index_cast %add3A_248 : i32 to index
      %get3A_250 = memref.load %arg0[%get3A_249] : memref<1200xf32, #tpu.memory_space<smem>>
      %mul3A_251 = vector.broadcast %get3A_232 : f32 to vector<128x128xf32>
      %mul3A_252 = arith.mulf %get3A_1, %mul3A_251 : vector<128x128xf32>
      %add3A_253 = vector.broadcast %get3A_250 : f32 to vector<128x128xf32>
      %add3A_254 = arith.addf %add3A_253, %mul3A_252 : vector<128x128xf32>
      %mul3A_255 = vector.broadcast %get3A_238 : f32 to vector<128x128xf32>
      %mul3A_256 = arith.mulf %get3A_4, %mul3A_255 : vector<128x128xf32>
      %add3A_257 = arith.addf %add3A_254, %mul3A_256 : vector<128x128xf32>
      %mul3A_258 = vector.broadcast %get3A_244 : f32 to vector<128x128xf32>
      %mul3A_259 = arith.mulf %get3A_7, %mul3A_258 : vector<128x128xf32>
      %add3A_260 = arith.addf %add3A_257, %mul3A_259 : vector<128x128xf32>
      %lt3A_261 = arith.cmpf olt, %add3A_260, %select_n3A_224 : vector<128x128xf32>
      %select_n3A_262 = arith.select %lt3A_261, %add3A_260, %select_n3A_224 : vector<128x128xi1>, vector<128x128xf32>
      %broadcast_in_dim3A_263 = vector.broadcast %scan3A_228 : i32 to vector<128x128xi32>
      %select_n3A_264 = arith.select %lt3A_261, %broadcast_in_dim3A_263, %select_n3A_226 : vector<128x128xi1>, vector<128x128xi32>
      %scan3A_265 = arith.constant 4 : i32
      %scan3A_266 = arith.addi %scan3A_113, %scan3A_265 : i32
      %mul3A_267 = arith.constant 4 : i32
      %mul3A_268 = arith.muli %mul3A_267, %scan3A_266 : i32
      %get3A_269 = arith.index_cast %mul3A_268 : i32 to index
      %get3A_270 = memref.load %arg0[%get3A_269] : memref<1200xf32, #tpu.memory_space<smem>>
      %mul3A_271 = arith.constant 4 : i32
      %mul3A_272 = arith.muli %mul3A_271, %scan3A_266 : i32
      %add3A_273 = arith.constant 1 : i32
      %add3A_274 = arith.addi %mul3A_272, %add3A_273 : i32
      %get3A_275 = arith.index_cast %add3A_274 : i32 to index
      %get3A_276 = memref.load %arg0[%get3A_275] : memref<1200xf32, #tpu.memory_space<smem>>
      %mul3A_277 = arith.constant 4 : i32
      %mul3A_278 = arith.muli %mul3A_277, %scan3A_266 : i32
      %add3A_279 = arith.constant 2 : i32
      %add3A_280 = arith.addi %mul3A_278, %add3A_279 : i32
      %get3A_281 = arith.index_cast %add3A_280 : i32 to index
      %get3A_282 = memref.load %arg0[%get3A_281] : memref<1200xf32, #tpu.memory_space<smem>>
      %mul3A_283 = arith.constant 4 : i32
      %mul3A_284 = arith.muli %mul3A_283, %scan3A_266 : i32
      %add3A_285 = arith.constant 3 : i32
      %add3A_286 = arith.addi %mul3A_284, %add3A_285 : i32
      %get3A_287 = arith.index_cast %add3A_286 : i32 to index
      %get3A_288 = memref.load %arg0[%get3A_287] : memref<1200xf32, #tpu.memory_space<smem>>
      %mul3A_289 = vector.broadcast %get3A_270 : f32 to vector<128x128xf32>
      %mul3A_290 = arith.mulf %get3A_1, %mul3A_289 : vector<128x128xf32>
      %add3A_291 = vector.broadcast %get3A_288 : f32 to vector<128x128xf32>
      %add3A_292 = arith.addf %add3A_291, %mul3A_290 : vector<128x128xf32>
      %mul3A_293 = vector.broadcast %get3A_276 : f32 to vector<128x128xf32>
      %mul3A_294 = arith.mulf %get3A_4, %mul3A_293 : vector<128x128xf32>
      %add3A_295 = arith.addf %add3A_292, %mul3A_294 : vector<128x128xf32>
      %mul3A_296 = vector.broadcast %get3A_282 : f32 to vector<128x128xf32>
      %mul3A_297 = arith.mulf %get3A_7, %mul3A_296 : vector<128x128xf32>
      %add3A_298 = arith.addf %add3A_295, %mul3A_297 : vector<128x128xf32>
      %lt3A_299 = arith.cmpf olt, %add3A_298, %select_n3A_262 : vector<128x128xf32>
      %select_n3A_300 = arith.select %lt3A_299, %add3A_298, %select_n3A_262 : vector<128x128xi1>, vector<128x128xf32>
      %broadcast_in_dim3A_301 = vector.broadcast %scan3A_266 : i32 to vector<128x128xi32>
      %select_n3A_302 = arith.select %lt3A_299, %broadcast_in_dim3A_301, %select_n3A_264 : vector<128x128xi1>, vector<128x128xi32>
      scf.yield %select_n3A_300, %select_n3A_302 : vector<128x128xf32>, vector<128x128xi32>
    }
    %scan3A_15 = arith.constant 300 : i32
    %swap3A = arith.constant 0 : index
    %swap3A_16 = arith.constant 0 : index
    %swap3A_17 = vector.load %arg4[%swap3A, %swap3A_16] : memref<128x128xi32, #tpu.memory_space<vmem>>, vector<128x128xi32>
    tpu.vector_store %arg4[%swap3A, %swap3A_16], %scan3A_14#1 {strides = array<i32>} : memref<128x128xi32, #tpu.memory_space<vmem>>, vector<128x128xi32>,
    %neg3A = arith.constant 0.000000e+00 : f32
    %neg3A_18 = vector.broadcast %neg3A : f32 to vector<128x128xf32>
    %neg3A_19 = arith.subf %neg3A_18, %get3A_1 : vector<128x128xf32>
    %neg3A_20 = arith.constant 0.000000e+00 : f32
    %neg3A_21 = vector.broadcast %neg3A_20 : f32 to vector<128x128xf32>
    %neg3A_22 = arith.subf %neg3A_21, %get3A_4 : vector<128x128xf32>
    %neg3A_23 = arith.constant 0.000000e+00 : f32
    %neg3A_24 = vector.broadcast %neg3A_23 : f32 to vector<128x128xf32>
    %neg3A_25 = arith.subf %neg3A_24, %get3A_7 : vector<128x128xf32>
    %mul3A = arith.mulf %neg3A_19, %neg3A_19 : vector<128x128xf32>
    %mul3A_26 = arith.mulf %neg3A_22, %neg3A_22 : vector<128x128xf32>
    %add3A = arith.addf %mul3A, %mul3A_26 : vector<128x128xf32>
    %mul3A_27 = arith.mulf %neg3A_25, %neg3A_25 : vector<128x128xf32>
    %add3A_28 = arith.addf %add3A, %mul3A_27 : vector<128x128xf32>
    %sqrt3A = math.sqrt %add3A_28 : vector<128x128xf32>
    %div3A = arith.divf %neg3A_19, %sqrt3A : vector<128x128xf32>
    %div3A_29 = arith.divf %neg3A_22, %sqrt3A : vector<128x128xf32>
    %div3A_30 = arith.divf %neg3A_25, %sqrt3A : vector<128x128xf32>
    %neg3A_31 = arith.constant 0.000000e+00 : f32
    %neg3A_32 = vector.broadcast %neg3A_31 : f32 to vector<128x128xf32>
    %neg3A_33 = arith.subf %neg3A_32, %get3A_1 : vector<128x128xf32>
    %mul3A_34 = arith.mulf %get3A_4, %get3A_4 : vector<128x128xf32>
    %mul3A_35 = arith.mulf %neg3A_33, %neg3A_33 : vector<128x128xf32>
    %add3A_36 = arith.addf %mul3A_34, %mul3A_35 : vector<128x128xf32>
    %eq3A = arith.constant 0.000000e+00 : f32
    %eq3A_37 = vector.broadcast %eq3A : f32 to vector<128x128xf32>
    %eq3A_38 = arith.cmpf oeq, %add3A_36, %eq3A_37 : vector<128x128xf32>
    %sqrt3A_39 = math.sqrt %add3A_36 : vector<128x128xf32>
    %jit3A = arith.constant 1.000000e+00 : f32
    %broadcast_in_dim3A_40 = vector.broadcast %jit3A : f32 to vector<128x128xf32>
    %select_n3A = arith.select %eq3A_38, %broadcast_in_dim3A_40, %sqrt3A_39 : vector<128x128xi1>, vector<128x128xf32>
    %div3A_41 = arith.divf %get3A_4, %select_n3A : vector<128x128xf32>
    %jit3A_42 = arith.constant 0.000000e+00 : f32
    %broadcast_in_dim3A_43 = vector.broadcast %jit3A_42 : f32 to vector<128x128xf32>
    %select_n3A_44 = arith.select %eq3A_38, %broadcast_in_dim3A_43, %div3A_41 : vector<128x128xi1>, vector<128x128xf32>
    %div3A_45 = arith.divf %neg3A_33, %select_n3A : vector<128x128xf32>
    %jit3A_46 = arith.constant 1.000000e+00 : f32
    %broadcast_in_dim3A_47 = vector.broadcast %jit3A_46 : f32 to vector<128x128xf32>
    %select_n3A_48 = arith.select %eq3A_38, %broadcast_in_dim3A_47, %div3A_45 : vector<128x128xi1>, vector<128x128xf32>
    %broadcast_in_dim3A_49 = arith.constant 0.000000e+00 : f32
    %broadcast_in_dim3A_50 = vector.broadcast %broadcast_in_dim3A_49 : f32 to vector<128x128xf32>
    %mul3A_51 = arith.mulf %div3A_29, %broadcast_in_dim3A_50 : vector<128x128xf32>
    %mul3A_52 = arith.mulf %div3A_30, %select_n3A_48 : vector<128x128xf32>
    %sub3A = arith.subf %mul3A_51, %mul3A_52 : vector<128x128xf32>
    %mul3A_53 = arith.mulf %div3A_30, %select_n3A_44 : vector<128x128xf32>
    %mul3A_54 = arith.mulf %div3A, %broadcast_in_dim3A_50 : vector<128x128xf32>
    %sub3A_55 = arith.subf %mul3A_53, %mul3A_54 : vector<128x128xf32>
    %mul3A_56 = arith.mulf %div3A, %select_n3A_48 : vector<128x128xf32>
    %mul3A_57 = arith.mulf %div3A_29, %select_n3A_44 : vector<128x128xf32>
    %sub3A_58 = arith.subf %mul3A_56, %mul3A_57 : vector<128x128xf32>
    %swap3A_59 = arith.constant 0 : index
    %swap3A_60 = arith.constant 0 : index
    %swap3A_61 = arith.constant 0 : index
    %swap3A_62 = vector.load %arg5[%swap3A_59, %swap3A_60, %swap3A_61] : memref<9x128x128xf32, #tpu.memory_space<vmem>>, vector<1x128x128xf32>
    %swap3A_63 = vector.shape_cast %swap3A_62 : vector<1x128x128xf32> to vector<128x128xf32>
    %swap3A_64 = vector.shape_cast %div3A : vector<128x128xf32> to vector<1x128x128xf32>
    tpu.vector_store %arg5[%swap3A_59, %swap3A_60, %swap3A_61], %swap3A_64 {strides = array<i32>} : memref<9x128x128xf32, #tpu.memory_space<vmem>>, vector<1x128x128xf32>,
    %swap3A_65 = arith.constant 1 : index
    %swap3A_66 = arith.constant 0 : index
    %swap3A_67 = arith.constant 0 : index
    %swap3A_68 = vector.load %arg5[%swap3A_65, %swap3A_66, %swap3A_67] : memref<9x128x128xf32, #tpu.memory_space<vmem>>, vector<1x128x128xf32>
    %swap3A_69 = vector.shape_cast %swap3A_68 : vector<1x128x128xf32> to vector<128x128xf32>
    %swap3A_70 = vector.shape_cast %select_n3A_44 : vector<128x128xf32> to vector<1x128x128xf32>
    tpu.vector_store %arg5[%swap3A_65, %swap3A_66, %swap3A_67], %swap3A_70 {strides = array<i32>} : memref<9x128x128xf32, #tpu.memory_space<vmem>>, vector<1x128x128xf32>,
    %swap3A_71 = arith.constant 2 : index
    %swap3A_72 = arith.constant 0 : index
    %swap3A_73 = arith.constant 0 : index
    %swap3A_74 = vector.load %arg5[%swap3A_71, %swap3A_72, %swap3A_73] : memref<9x128x128xf32, #tpu.memory_space<vmem>>, vector<1x128x128xf32>
    %swap3A_75 = vector.shape_cast %swap3A_74 : vector<1x128x128xf32> to vector<128x128xf32>
    %swap3A_76 = vector.shape_cast %sub3A : vector<128x128xf32> to vector<1x128x128xf32>
    tpu.vector_store %arg5[%swap3A_71, %swap3A_72, %swap3A_73], %swap3A_76 {strides = array<i32>} : memref<9x128x128xf32, #tpu.memory_space<vmem>>, vector<1x128x128xf32>,
    %swap3A_77 = arith.constant 3 : index
    %swap3A_78 = arith.constant 0 : index
    %swap3A_79 = arith.constant 0 : index
    %swap3A_80 = vector.load %arg5[%swap3A_77, %swap3A_78, %swap3A_79] : memref<9x128x128xf32, #tpu.memory_space<vmem>>, vector<1x128x128xf32>
    %swap3A_81 = vector.shape_cast %swap3A_80 : vector<1x128x128xf32> to vector<128x128xf32>
    %swap3A_82 = vector.shape_cast %div3A_29 : vector<128x128xf32> to vector<1x128x128xf32>
    tpu.vector_store %arg5[%swap3A_77, %swap3A_78, %swap3A_79], %swap3A_82 {strides = array<i32>} : memref<9x128x128xf32, #tpu.memory_space<vmem>>, vector<1x128x128xf32>,
    %swap3A_83 = arith.constant 4 : index
    %swap3A_84 = arith.constant 0 : index
    %swap3A_85 = arith.constant 0 : index
    %swap3A_86 = vector.load %arg5[%swap3A_83, %swap3A_84, %swap3A_85] : memref<9x128x128xf32, #tpu.memory_space<vmem>>, vector<1x128x128xf32>
    %swap3A_87 = vector.shape_cast %swap3A_86 : vector<1x128x128xf32> to vector<128x128xf32>
    %swap3A_88 = vector.shape_cast %select_n3A_48 : vector<128x128xf32> to vector<1x128x128xf32>
    tpu.vector_store %arg5[%swap3A_83, %swap3A_84, %swap3A_85], %swap3A_88 {strides = array<i32>} : memref<9x128x128xf32, #tpu.memory_space<vmem>>, vector<1x128x128xf32>,
    %swap3A_89 = arith.constant 5 : index
    %swap3A_90 = arith.constant 0 : index
    %swap3A_91 = arith.constant 0 : index
    %swap3A_92 = vector.load %arg5[%swap3A_89, %swap3A_90, %swap3A_91] : memref<9x128x128xf32, #tpu.memory_space<vmem>>, vector<1x128x128xf32>
    %swap3A_93 = vector.shape_cast %swap3A_92 : vector<1x128x128xf32> to vector<128x128xf32>
    %swap3A_94 = vector.shape_cast %sub3A_55 : vector<128x128xf32> to vector<1x128x128xf32>
    tpu.vector_store %arg5[%swap3A_89, %swap3A_90, %swap3A_91], %swap3A_94 {strides = array<i32>} : memref<9x128x128xf32, #tpu.memory_space<vmem>>, vector<1x128x128xf32>,
    %swap3A_95 = arith.constant 6 : index
    %swap3A_96 = arith.constant 0 : index
    %swap3A_97 = arith.constant 0 : index
    %swap3A_98 = vector.load %arg5[%swap3A_95, %swap3A_96, %swap3A_97] : memref<9x128x128xf32, #tpu.memory_space<vmem>>, vector<1x128x128xf32>
    %swap3A_99 = vector.shape_cast %swap3A_98 : vector<1x128x128xf32> to vector<128x128xf32>
    %swap3A_100 = vector.shape_cast %div3A_30 : vector<128x128xf32> to vector<1x128x128xf32>
    tpu.vector_store %arg5[%swap3A_95, %swap3A_96, %swap3A_97], %swap3A_100 {strides = array<i32>} : memref<9x128x128xf32, #tpu.memory_space<vmem>>, vector<1x128x128xf32>,
    %swap3A_101 = arith.constant 7 : index
    %swap3A_102 = arith.constant 0 : index
    %swap3A_103 = arith.constant 0 : index
    %swap3A_104 = vector.load %arg5[%swap3A_101, %swap3A_102, %swap3A_103] : memref<9x128x128xf32, #tpu.memory_space<vmem>>, vector<1x128x128xf32>
    %swap3A_105 = vector.shape_cast %swap3A_104 : vector<1x128x128xf32> to vector<128x128xf32>
    %swap3A_106 = vector.shape_cast %broadcast_in_dim3A_50 : vector<128x128xf32> to vector<1x128x128xf32>
    tpu.vector_store %arg5[%swap3A_101, %swap3A_102, %swap3A_103], %swap3A_106 {strides = array<i32>} : memref<9x128x128xf32, #tpu.memory_space<vmem>>, vector<1x128x128xf32>,
    %swap3A_107 = arith.constant 8 : index
    %swap3A_108 = arith.constant 0 : index
    %swap3A_109 = arith.constant 0 : index
    %swap3A_110 = vector.load %arg5[%swap3A_107, %swap3A_108, %swap3A_109] : memref<9x128x128xf32, #tpu.memory_space<vmem>>, vector<1x128x128xf32>
    %swap3A_111 = vector.shape_cast %swap3A_110 : vector<1x128x128xf32> to vector<128x128xf32>
    %swap3A_112 = vector.shape_cast %sub3A_58 : vector<128x128xf32> to vector<1x128x128xf32>
    tpu.vector_store %arg5[%swap3A_107, %swap3A_108, %swap3A_109], %swap3A_112 {strides = array<i32>} : memref<9x128x128xf32, #tpu.memory_space<vmem>>, vector<1x128x128xf32>,
    return
  }
}

</mosaic_0001>

<sc_bundles>
// kernel: kernel.4.cloned.1.call-start
scs
__scs_entry_jumppad:
0x0: {  	(pc) =	sbr.rel $0x88, $3  }
0x1: {  	(tag) =	ssettag $0x0;
	lr =	simm.s32 $0x1  }
0x2: {  	[smem:$0x3F9F] =	sst lr;
	_ =	strace $0xD0000000  }
0x3: {  	_ = 	snop  }
0x4: {  	_ = 	snop  }
0x5: {  	_ = 	snop  }
0x6: {  	_ = 	snop  }
0x7: {  	_ = 	snop  }
__scs_overlays_trampoline_lowered:
0x8: {  	[smem:$0x3FAE] =	sst s0  }
0x9: {  	[smem:$0x3FAF] =	sst s1  }
0xa: {  	[smem:$0x3FB0] =	sst s2  }
0xb: {  	[smem:$0x3FB1] =	sst s3  }
0xc: {  	[smem:$0x3FB2] =	sst s4  }
0xd: {  	[smem:$0x3FB3] =	sst s5  }
0xe: {  	[smem:$0x3FB4] =	sst s6  }
0xf: {  	[smem:$0x3FB5] =	sst s7  }
0x10: {  	[smem:$0x3FB6] =	sst s8  }
0x11: {  	[smem:$0x3FB7] =	sst s9;
	s0 =	simm.s32 @!p0 $0x0  }
0x12: {  	s1 =	sld [smem:$0x3F9D];
	s0 =	simm.s32 @p0 $0x1  }
0x13: {  	[smem:$0x3FB8] =	sst s0;
	s0 =	simm.s32 @!p1 $0x0  }
0x14: {  	s2 =	sld [smem:$0x3F9C];
	s0 =	simm.s32 @p1 $0x1  }
0x15: {  	[smem:$0x3FB9] =	sst s0;
	s0 =	simm.s32 @!p2 $0x0  }
0x16: {  	s3 =	sld [smem:$0x3FDB];
	s0 =	simm.s32 @p2 $0x1  }
0x17: {  	s4 =	simm.s32 $0x1BF5;
	[smem:$0x3FBB] =	sst s0  }
0x18: {  	s0 =	sld [smem:$0x3F9E];
	_ =	swait.ge [sflag:s4], $0x0  }
0x19: {  	s7 =	sld [smem:$0x3F9F]  }
0x1a: {  	s8 =	sadd.s32 $0xFFFFE003, lr  }
0x1b: {  	s9 =	sadd.s32 $0xFFFFFEF7, lr;
	s5 =	simm.s32 $0xFFFFFFFF;
	p2 =	slt.u32 s8, $0xFFFFF086  }
0x1c: {  	p1 =	slt.u32 s9, $0xF7A;
	s5 =	simm.s32 @!p2 $0x0  }
0x1d: {  	s5 =	simm.s32 @p1 $0x1;
	p0 =	seq.s32 s7, s2  }
0x1e: {  	s7 =	smul.u32 @!p0 $0xF7A, s2;
	p2 =	seq.s32 @!p0 s5, $0x0  }
0x1f: {  	s9 =	smul.u32 $0xF7A, s1;
	s8 =	simm.s32 @!p0 $0x1BF5;
	p2 =	por !p2, p0  }
0x20: {  	[sflag:s8] =	ssyncset.s32 @!p0 $0xFFFFF086;
	s6 =	sadd.s32 @!p0 s3, s7;
	s7 =	simm.s32 @!p0 $0x108  }
0x21: {  	s3 =	sadd.s32 s3, s9;
	s6 =	sadd.s32 @!p0 $0x88, s6;
	s7 =	simm.s32 @p2 $0x1082  }
0x22: {  	[simem:s7], [sflag:s8] =	dma.local @!p0 [hbm:s6], $0xF7A  }
0x23: {  	s9 =	sor.u32 $0xD0000000, s2;
	s6 =	simm.s32 $0x108;
	_ =	swait.ge @!p0 [sflag:s8], $0x0  }
0x24: {  	s3 =	sadd.s32 $0x88, s3;
	s6 =	simm.s32 @!p1 $0x1082;
	[sflag:s4] =	ssyncset.s32 $0xFFFFF086  }
0x25: {  	[simem:s6], [sflag:s4] =	dma.local [hbm:s3], $0xF7A  }
0x26: {  	[smem:$0x3F9F] =	sst s1;
	(tag) =	ssettag s2;
	_ =	strace s9  }
0x27: {  	s1 =	sld [smem:$0x3FAF]  }
0x28: {  	s2 =	sld [smem:$0x3FB0]  }
0x29: {  	s4 =	sld [smem:$0x3FB2]  }
0x2a: {  	p0 =	seq.s32 s5, $0x0;
	s5 =	sld [smem:$0x3FB3]  }
0x2b: {  	s6 =	sld [smem:$0x3FB4]  }
0x2c: {  	s7 =	sld [smem:$0x3FB5]  }
0x2d: {  	s3 =	simm.s32 $0x108;
	s8 =	sld [smem:$0x3FB6]  }
0x2e: {  	s3 =	simm.s32 @!p0 $0x1082;
	s9 =	sld [smem:$0x3FB7]  }
0x2f: {  	lr =	sadd.s32 s0, s3;
	s0 =	sld [smem:$0x3FAE]  }
0x30: {  	s3 =	sld [smem:$0x3FB1]  }
0x31: {  	[smem:$0x3FBA] =	sst s10  }
0x32: {  	s10 =	sld [smem:$0x3FB8];
	_ =	sdelay $0x3  }
0x33: {  	p0 =	seq.s32 s10, $0x1;
	s10 =	sld [smem:$0x3FBA];
	_ =	sdelay $0x3  }
0x34: {  	[smem:$0x3FBA] =	sst s10  }
0x35: {  	s10 =	sld [smem:$0x3FB9];
	_ =	sdelay $0x3  }
0x36: {  	p1 =	seq.s32 s10, $0x1;
	s10 =	sld [smem:$0x3FBA];
	_ =	sdelay $0x3  }
0x37: {  	[smem:$0x3FBA] =	sst s10  }
0x38: {  	s10 =	sld [smem:$0x3FBB]  }
0x39: {  	_ = 	snop;
	(pc) =	sbr.ind lr, $3  }
0x3a: {  	_ = 	snop  }
0x3b: {  	_ = 	snop  }
0x3c: {  	p2 =	seq.s32 s10, $0x1;
	s10 =	sld [smem:$0x3FBA]  }
0x3d: {  	_ =	shalt  }
0x3e: {  	_ =	shalt  }
0x3f: {  	_ =	shalt  }
0x40: {  	_ =	shalt  }
0x41: {  	_ =	shalt  }
0x42: {  	_ =	shalt  }
0x43: {  	_ =	shalt  }
0x44: {  	_ =	shalt  }
0x45: {  	_ =	shalt  }
0x46: {  	_ =	shalt  }
0x47: {  	_ =	shalt  }
0x48: {  	_ =	shalt  }
0x49: {  	_ =	shalt  }
0x4a: {  	_ =	shalt  }
0x4b: {  	_ =	shalt  }
0x4c: {  	_ =	shalt  }
0x4d: {  	_ =	shalt  }
0x4e: {  	_ =	shalt  }
0x4f: {  	_ =	shalt  }
0x50: {  	_ =	shalt  }
0x51: {  	_ =	shalt  }
0x52: {  	_ =	shalt  }
0x53: {  	_ =	shalt  }
0x54: {  	_ =	shalt  }
0x55: {  	_ =	shalt  }
0x56: {  	_ =	shalt  }
0x57: {  	_ =	shalt  }
0x58: {  	_ =	shalt  }
0x59: {  	_ =	shalt  }
0x5a: {  	_ =	shalt  }
0x5b: {  	_ =	shalt  }
0x5c: {  	_ =	shalt  }
0x5d: {  	_ =	shalt  }
0x5e: {  	_ =	shalt  }
0x5f: {  	_ =	shalt  }
0x60: {  	_ =	shalt  }
0x61: {  	_ =	shalt  }
0x62: {  	_ =	shalt  }
0x63: {  	_ =	shalt  }
0x64: {  	_ =	shalt  }
0x65: {  	_ =	shalt  }
0x66: {  	_ =	shalt  }
0x67: {  	_ =	shalt  }
0x68: {  	_ =	shalt  }
0x69: {  	_ =	shalt  }
0x6a: {  	_ =	shalt  }
0x6b: {  	_ =	shalt  }
0x6c: {  	_ =	shalt  }
0x6d: {  	_ =	shalt  }
0x6e: {  	_ =	shalt  }
0x6f: {  	_ =	shalt  }
0x70: {  	_ =	shalt  }
0x71: {  	_ =	shalt  }
0x72: {  	_ =	shalt  }
0x73: {  	_ =	shalt  }
0x74: {  	_ =	shalt  }
0x75: {  	_ =	shalt  }
0x76: {  	_ =	shalt  }
0x77: {  	_ =	shalt  }
0x78: {  	_ =	shalt  }
0x79: {  	_ =	shalt  }
0x7a: {  	_ =	shalt  }
0x7b: {  	_ =	shalt  }
0x7c: {  	_ =	shalt  }
0x7d: {  	_ =	shalt  }
0x7e: {  	_ =	shalt  }
0x7f: {  	_ =	shalt  }
0x80: {  	_ =	shalt  }
0x81: {  	_ =	shalt  }
0x82: {  	_ =	shalt  }
0x83: {  	_ =	shalt  }
0x84: {  	_ =	shalt  }
0x85: {  	_ =	shalt  }
0x86: {  	_ =	shalt  }
0x87: {  	_ =	shalt  }
.Lfunc_end0:
.L_simem_size_0:
called_computation_lowered:
.L_overlay_start_0:
0x88: {  	s0 =	sld [smem:$0x3FD9]  }
0x89: {  	s1 =	sld [smem:$0x3FFE];
	_ =	sdelay $0x3  }
0x8a: {  	s0 =	sadd.s32 s1, s0  }
0x8b: {  	[smem:$0x3FC6] =	sst s0  }
0x8c: {  	_ = 	snop  }
0x8d: {  	s0 =	sld [smem:$0x3FD0];
	_ =	sdelay $0x2  }
0x8e: {  	s13 =	simm.s32 $0xA;
	s2 =	simm.s32 $0x10  }
0x8f: {  	[smem:s2], [sflag:s13] =	dma.local [hbm:s0], $0x1  }
0x90: {  	_ =	swait.eq [sflag:s13], $0x1  }
0x91: {  	[sflag:s13] =	ssyncset.done $0x0  }
0x92: {  	s14 =	sld [smem:$0x10];
	[sflag:s13] =	ssyncadd.s32 $0xFFFFFFFF  }
0x93: {  	s15 =	sld [smem:$0x11];
	(tm) =	ssettm $0x1  }
0x94: {  	s16 =	sld [smem:$0x3FFB];
	_ =	sdelay $0x3  }
0x95: {  	_ =	strace s16  }
0x96: {  	s2 =	sld [smem:$0x3FFC];
	_ =	sdelay $0x3  }
0x97: {  	_ =	strace s2  }
0x98: {  	s2 =	sld [smem:$0x3FFD];
	_ =	sdelay $0x3  }
0x99: {  	_ =	strace s2  }
0x9a: {  	_ =	strace $0x8FFFFFFF  }
0x9b: {  	s17 =	sld [smem:$0x3FDB];
	_ =	sdelay $0x1  }
0x9c: {  	s3 =	simm.s32 $_scs_section_size  }
0x9d: {  	s4 =	simm.s32 $_size__tile_overlayer_lowered;
	s5 =	simm.s32 $_tile_overlayer_lowered  }
0x9e: {  	s20 =	simm.s32 $0x1BFF;
	s19 =	sshll.u32 s5, $0x1;
	s2 =	sadd.s32 s3, s17  }
0x9f: {  	s6 =	simm.s32 $0x0;
	s18 =	sshll.u32 s4, $0x1;
	s4 =	sadd.s32 s19, s2  }
0xa0: {  	[timem:s6], [sflag:s20] =	dma.local [hbm:s4], s18  }
0xa1: {  	_ =	swait.ge [sflag:s20], s18  }
0xa2: {  	s3 =	ssub.s32 $0x0, s18;
	[sflag:s20] =	ssyncset.done $0x0  }
0xa3: {  	[sflag:s20] =	ssyncadd.s32 s3;
	_ =	sdelay $0x1  }
0xa4: {  	s21 =	simm.s32 $0x1B8B  }
0xa5: {  	_ =	swait.ge [sflag:s21], $0x1  }
0xa6: {  	[sflag:s21] =	ssyncset.done $0x0  }
0xa7: {  	s23 =	simm.s32 $0x1B8E;
	s22 =	sld [smem:$0x3FFE];
	[sflag:s21] =	ssyncadd.s32 $0xFFFFFFFF  }
0xa8: {  	s24 =	simm.s32 $execute0_lowered;
	[smem:$0x3FD2] =	sst s23  }
0xa9: {  	s4 =	sshll.u32 s24, $0x1;
	_ =	strace $0x80000046;
	[dreg:$0x1] =	wrdreg $0xFFFFFFFF  }
0xaa: {  	s25 =	simm.s32 $_size_execute0_lowered;
	s2 =	sadd.s32 s2, s4;
	[dreg:$0x0] =	wrdreg $0x0  }
0xab: {  	s4 =	sshll.u32 s25, $0x1;
	[dreg:$0x2] =	wrdreg s2  }
0xac: {  	[dreg:$0x3] =	wrdreg s4  }
0xad: {  	[dreg:$0x4] =	wrdreg $0xC0  }
0xae: {  	_ =	task [dreg:s6], $0x5FFFF  }
0xaf: {  	[dreg:$0x1] =	wrdreg $0xFFFFFFFF  }
0xb0: {  	[dreg:$0x0] =	wrdreg $0x60  }
0xb1: {  	[dreg:$0x2] =	wrdreg s22  }
0xb2: {  	[dreg:$0x3] =	wrdreg s14  }
0xb3: {  	[dreg:$0x4] =	wrdreg s15  }
0xb4: {  	[dreg:$0x5] =	wrdreg $0x9  }
0xb5: {  	_ =	task.clear_ibuf [dreg:s6], $0x6FFFF;
	_ =	strace $0x90000046  }
0xb6: {  	s26 =	simm.s32 $0x9;
	_ =	strace $0x80000048  }
0xb7: {  	_ =	swait.ge [sflag:s26], $0x1  }
0xb8: {  	[sflag:s26] =	ssyncadd.s32 $0xFFFFFFFF  }
0xb9: {  	_ =	strace $0x90000048  }
0xba: {  	_ =	sfence  }
0xbb: {  	s28 =	sld [smem:$0x0];
	_ =	sdelay $0x1  }
0xbc: {  	s29 =	srdreg.scid  }
0xbd: {  	s30 =	sshll.u32 s29, $0xD;
	s31 =	sshrl.u32 s29, $0x2  }
0xbe: {  	s1 =	sand.u32 $0x1, s29;
	s2 =	sand.u32 $0x4000, s30;
	s0 =	sadd.s32 s31, s28  }
0xbf: {  	s1 =	sor.u32 s2, s1;
	s0 =	sshll.u32 s0, $0x11  }
0xc0: {  	s0 =	sor.u32 s0, s1  }
0xc1: {  	s0 =	sadd.s32 $0x8F2B, s0  }
0xc2: {  	[sflag:s0] =	ssyncadd.remote.s32 $0x1  }
0xc3: {  	_ =	sfence.sel $0xFFFF  }
0xc4: {  	[dreg:$0x0] =	wrdreg $0xFFFFFFFF;
	(pc) =	sbr.abs _section_cstart, $3  }
0xc5: {  	[dreg:$0x1] =	wrdreg $0xFFFFFFFF  }
0xc6: {  	_ =	task.clear_ibuf [dreg:s6], $0x2FFFF;
	_ =	strace $0x9FFFFFFF  }
0xc7: {  	(tm) =	ssettm $0x7FFFFFFF  }
tec
execute0_lowered:
.L_overlay_start_1:
0x0: {  	(tag) =	ssettag $0x1  }
0x1: {  	s3 =	rddreg [dreg:$0x0]  }
0x2: {  	s5 =	rddreg [dreg:$0x1]  }
0x3: {  	s2 =	rddreg [dreg:$0x2]  }
0x4: {  	s0 =	rddreg [dreg:$0x3];
	s6 =	simm.s32 $0x0;
	s1 =	stileid.u32  }
0x5: {  	s7 =	simm.s32 $0x2;
	[smem:$0x7FF] =	sst s6;
	s4 =	sshll.u32 s1, $0x7  }
0x6: {  	s31 =	sshrl.u32 s1, $0x2;
	_ =	strace $0x80000047;
	s5 =	sadd.s32 s5, s4  }
0x7: {  	[tilespmem:s6], [sflag:$0x2] =	stream.linear.gather [hbm4b:s5+s6], $0x400, $0x38;
	[tilespmem:$0x1000] =	vst v63  }
0x8: {  	s8 =	smul.u32 $0xC350, s31;
	_ =	swait.ge [sflag:s7], $0x400  }
0x9: {  	s6 =	sadd.s32 $0xC400, s3;
	s5 =	sadd.s32 $0x6200, s3;
	[sflag:s7] =	ssyncset.done $0x0  }
0xa: {  	v0 =	vmov s8;
	s8 =	simm.s32 $0x40;
	[sflag:s7] =	ssyncadd.s32 $0xFFFFFC00;
	s7 =	simm.s32 $0x0  }
.LBB2_1:
0xb: {  	p0 =	sne.s32 s8, $0xFC0;
	v1 =	vld [tilespmem:s7+$0x0];
	_ =	sdelay $0x1  }
.Ltmp0:
0xc: {  	(pc) =	sbr.rel @p0 .LBB2_1-.Ltmp0, $3  }
0xd: {  	_ =	sdelay $0x1  }
0xe: {  	v1 =	vadd.s32 v0, v1  }
0xf: {  	[tilespmem:s7+$0x0] =	vst v1;
	s7 =	sshra.s32 s8, $0x2;
	s8 =	sadd.s32 $0x40, s8  }
0x10: {  	v1 =	vld [tilespmem:s7+$0x0];
	_ =	sdelay $0x4  }
0x11: {  	v0 =	vadd.s32 v0, v1  }
0x12: {  	s28 =	simm.s32 $0x0;
	s8 =	simm.s32 $0x400;
	s29 =	simm.s32 $0x1;
	[tilespmem:s7+$0x0] =	vst v0  }
0x13: {  	[tilespmem:s8], [sflag:$0x1] =	stream.indirect.gather [hbm4b:s6+s8], $0x1, s28, s8, $0xb8;
	[tilespmem:$0x1000] =	vst v63  }
0x14: {  	_ =	swait.ge [sflag:s29], $0x400  }
0x15: {  	[sflag:s29] =	ssyncset.done $0x0  }
0x16: {  	s9 =	simm.s32 $0x800;
	[sflag:s29] =	ssyncadd.s32 $0xFFFFFC00  }
0x17: {  	[tilespmem:s9], [sflag:$0x1] =	stream.indirect.gather [hbm4b:s5+s8], $0x1, s28, s8, $0xb8;
	[tilespmem:$0x1000] =	vst v63  }
0x18: {  	_ =	swait.ge [sflag:s29], $0x400  }
0x19: {  	[sflag:s29] =	ssyncset.done $0x0  }
0x1a: {  	s30 =	simm.s32 $0xC00;
	[sflag:s29] =	ssyncadd.s32 $0xFFFFFC00  }
0x1b: {  	[tilespmem:s30], [sflag:$0x1] =	stream.indirect.gather [hbm4b:s3+s8], $0x1, s28, s8, $0xb8;
	[tilespmem:$0x1000] =	vst v63  }
0x1c: {  	_ =	swait.ge [sflag:s29], $0x400  }
0x1d: {  	[sflag:s29] =	ssyncset.done $0x0  }
0x1e: {  	s2 =	sadd.s32 s2, s4;
	s31 =	simm.s32 $0x2;
	[sflag:s29] =	ssyncadd.s32 $0xFFFFFC00  }
0x1f: {  	[hbm4b:s2+s28] =	stream.linear.scatter [tilespmem:s8], [sflag:$0x2], $0x400, $0x38;
	[tilespmem:$0x1000] =	vst v63  }
0x20: {  	_ =	swait.ge [sflag:s31], $0x400  }
0x21: {  	[sflag:s31] =	ssyncset.done $0x0  }
0x22: {  	s4 =	sadd.s32 $0x800, s2;
	[sflag:s31] =	ssyncadd.s32 $0xFFFFFC00  }
0x23: {  	[hbm4b:s4+s28] =	stream.linear.scatter [tilespmem:s9], [sflag:$0x2], $0x400, $0x38;
	[tilespmem:$0x1000] =	vst v63  }
0x24: {  	_ =	swait.ge [sflag:s31], $0x400  }
0x25: {  	[sflag:s31] =	ssyncset.done $0x0  }
0x26: {  	s2 =	sadd.s32 $0x1000, s2;
	[sflag:s31] =	ssyncadd.s32 $0xFFFFFC00  }
0x27: {  	[hbm4b:s2+s28] =	stream.linear.scatter [tilespmem:s30], [sflag:$0x2], $0x400, $0x38;
	[tilespmem:$0x1000] =	vst v63  }
0x28: {  	_ =	swait.ge [sflag:s31], $0x400  }
0x29: {  	[sflag:s31] =	ssyncset.done $0x0  }
0x2a: {  	[sflag:s31] =	ssyncadd.s32 $0xFFFFFC00  }
0x2b: {  	_ =	sfence.sel $0x180000  }
0x2c: {  	[bflag:$0x0] =	sbarrier.arrive $0xFFFF  }
0x2d: {  	p0 =	sne.s32 s1, $0x0;
	_ =	strace $0x90000047  }
0x2e: {  	s0 =	sadd.s32 @!p0 $0x100000, s0;
	[bflag:$0x2] =	sbarrier.arrive $0xFFFF  }
0x2f: {  	[sflag:s0] =	ssyncadd.tile.s32 @!p0 $0x1;
	_ =	shalt  }
.Lfunc_end2:
_tile_overlayer_lowered:
.L_overlay_start_2:
0x30: {  	(tag) =	ssettag $0x2  }
0x31: {  	s0 =	rddreg [dreg:$0x0];
	s2 =	stileid.u32  }
0x32: {  	s1 =	rddreg [dreg:$0x1];
	p0 =	sne.s32 s2, $0x0  }
0x33: {  	s3 =	rddreg [dreg:$0x2];
	[bflag:$0x3] =	sbarrier.arrive $0xFFFF;
	s2 =	simm.s32 @!p0 $0x1C02  }
0x34: {  	[timem:s3], [sflag:s2] =	dma.local @!p0 [hbm:s0], s1  }
0x35: {  	s0 =	simm.s32 @!p0 $0x2  }
0x36: {  	_ =	swait.ge @!p0 [sflag:s0], s1  }
0x37: {  	s1 =	ssub.s32 @!p0 $0x0, s1;
	[sflag:s0] =	ssyncset.done @!p0 $0x0  }
0x38: {  	[sflag:s0] =	ssyncadd.s32 @!p0 s1  }
0x39: {  	[bflag:$0x3] =	sbarrier.arrive $0xFFFF  }
0x3a: {  	_ =	shalt  }

</sc_bundles>
